<compile_context>
chip_gen: v7x
topology: tpu7x:2x2x1
jax: 0.10.2.dev20260603
libtpu: 0.0.44.dev20260713+nightly
codegen_flags: <defaults>
</compile_context>

<pallas_src>
import functools

import jax
import jax.numpy as jnp
from jax.experimental import pallas as pl
from jax.experimental.pallas import tpu as pltpu
from jax.experimental.pallas import tpu_sc as plsc

N = 5000
NPAD = 5120
B = 256
NB = NPAD // B
THRESHOLD = 0.5
MAX_SIZE = 300


OUTW = 384


def _nms_step(bxs_ref, order_ref, out_ref, crd_ref, keep_ref, acc_ref,
              run_ref):
    k = pl.program_id(0)

    @pl.when(k == 0)
    def _init():
        keep_ref[...] = jnp.zeros_like(keep_ref)
        acc_ref[...] = jnp.zeros_like(acc_ref)
        run_ref[0, 0] = 0.0
        for c in range(4):
            for jb in range(NB):
                crd_ref[c, pl.ds(jb * B, B)] = jnp.reshape(
                    bxs_ref[pl.ds(jb * B, B), c], (B,))

    base = k * B
    rx1 = crd_ref[0:1, pl.ds(base, B)]
    ry1 = crd_ref[1:2, pl.ds(base, B)]
    rx2 = crd_ref[2:3, pl.ds(base, B)]
    ry2 = crd_ref[3:4, pl.ds(base, B)]
    rareas = (rx2 - rx1) * (ry2 - ry1)
    cx1 = jnp.reshape(rx1, (B, 1))
    cy1 = jnp.reshape(ry1, (B, 1))
    cx2 = jnp.reshape(rx2, (B, 1))
    cy2 = jnp.reshape(ry2, (B, 1))
    careas = (cx2 - cx1) * (cy2 - cy1)

    def pbody(jb, acc):
        jbase = jb * B
        jx1 = crd_ref[0:1, pl.ds(jbase, B)]
        jy1 = crd_ref[1:2, pl.ds(jbase, B)]
        jx2 = crd_ref[2:3, pl.ds(jbase, B)]
        jy2 = crd_ref[3:4, pl.ds(jbase, B)]
        jareas = (jx2 - jx1) * (jy2 - jy1)
        w = jnp.maximum(jnp.minimum(cx2, jx2) - jnp.maximum(cx1, jx1), 0.0)
        h = jnp.maximum(jnp.minimum(cy2, jy2) - jnp.maximum(cy1, jy1), 0.0)
        inter = w * h
        iou = inter / (careas + jareas - inter + 1e-9)
        kr = keep_ref[0:1, pl.ds(jbase, B)]
        return acc + jnp.where(iou > THRESHOLD, 1.0, 0.0) * kr

    acc = jax.lax.fori_loop(0, k, pbody, jnp.zeros((B, B), jnp.float32))
    supp = jnp.sum(acc, axis=1, keepdims=True)
    keep_cur = jnp.reshape((supp == 0.0).astype(jnp.float32), (1, B))

    bw = jnp.maximum(jnp.minimum(cx2, rx2) - jnp.maximum(cx1, rx1), 0.0)
    bh = jnp.maximum(jnp.minimum(cy2, ry2) - jnp.maximum(cy1, ry1), 0.0)
    binter = bw * bh
    biou = binter / (careas + rareas - binter + 1e-9)
    rowi = jax.lax.broadcasted_iota(jnp.int32, (B, B), 0)
    coli = jax.lax.broadcasted_iota(jnp.int32, (B, B), 1)
    ts = jnp.where((biou > THRESHOLD) & (rowi < coli), 1.0, 0.0)
    l0 = jnp.zeros_like(keep_cur)

    def fcond(carry):
        it, s = carry
        return jnp.logical_and(
            it < B,
            jnp.sum((s[0:1, :] != s[1:2, :]).astype(jnp.float32)) > 0.0)

    def fbody(carry):
        it, s = carry
        r = jnp.dot(s, ts, preferred_element_type=jnp.float32)
        lnew = keep_cur * (r[1:2, :] == 0.0).astype(jnp.float32)
        unew = keep_cur * (r[0:1, :] == 0.0).astype(jnp.float32)
        return it + 1, jnp.concatenate([lnew, unew], axis=0)

    _, s = jax.lax.while_loop(
        fcond, fbody, (0, jnp.concatenate([l0, keep_cur], axis=0)))
    keep_cur = s[0:1, :]

    keep_ref[0:1, pl.ds(base, B)] = keep_cur

    lanei = jax.lax.broadcasted_iota(jnp.int32, (1, B), 1)
    validf = jnp.where(base + lanei < N, 1.0, 0.0)
    kv = keep_cur * validf
    ltm = jnp.where(rowi < coli, 1.0, 0.0)
    run = run_ref[0, 0]
    grank = jnp.dot(kv, ltm, preferred_element_type=jnp.float32) + run
    grankt = jnp.reshape(grank, (B, 1))
    kvt = jnp.reshape(kv, (B, 1))
    oiota = jax.lax.broadcasted_iota(jnp.int32, (1, OUTW), 1).astype(
        jnp.float32)
    oneh = jnp.where(grankt == oiota, 1.0, 0.0) * kvt
    ordc = order_ref[0:1, pl.ds(base, B)]
    acc_ref[...] += jnp.dot(ordc, oneh, preferred_element_type=jnp.float32,
                            precision=jax.lax.Precision.HIGHEST)
    run_ref[0, 0] = run + jnp.sum(kv)

    @pl.when(k == NB - 1)
    def _emit():
        total = run_ref[0, 0]
        o0 = order_ref[0, 0]
        out_ref[...] = acc_ref[...] + jnp.where(oiota >= total, o0, 0.0)


@functools.partial(jax.jit, static_argnames=())
def _nms_kept(bxs, orderf):
    return pl.pallas_call(
        _nms_step,
        grid=(NB,),
        in_specs=[
            pl.BlockSpec((NPAD, 16), lambda k: (0, 0)),
            pl.BlockSpec((1, NPAD), lambda k: (0, 0)),
        ],
        out_specs=pl.BlockSpec((1, OUTW), lambda k: (0, 0)),
        out_shape=jax.ShapeDtypeStruct((1, OUTW), jnp.float32),
        scratch_shapes=[
            pltpu.VMEM((4, NPAD), jnp.float32),
            pltpu.VMEM((1, NPAD), jnp.float32),
            pltpu.VMEM((1, OUTW), jnp.float32),
            pltpu.SMEM((1, 1), jnp.float32),
        ],
    )(bxs, orderf)


_NW = 32
_CHUNK = NPAD // _NW
_L = 16


def _sc_gather_body(rois16_hbm, order_hbm, bxs_hbm, ordf_hbm,
                    idx_v, rows_v, ordf_v, sem):
    wid = jax.lax.axis_index("s") * 2 + jax.lax.axis_index("c")
    base = wid * _CHUNK
    pltpu.sync_copy(order_hbm.at[pl.ds(base, _CHUNK)], idx_v)
    pltpu.async_copy(rois16_hbm.at[idx_v], rows_v, sem).wait()
    for o in range(0, _CHUNK, _L):
        ordf_v[pl.ds(o, _L)] = idx_v[pl.ds(o, _L)].astype(jnp.float32)
    pltpu.sync_copy(rows_v, bxs_hbm.at[pl.ds(base, _CHUNK)])
    pltpu.sync_copy(ordf_v, ordf_hbm.at[pl.ds(base, _CHUNK)])


@jax.jit
def _sc_gather(rois16, order_pad):
    return pl.kernel(
        _sc_gather_body,
        mesh=plsc.VectorSubcoreMesh(core_axis_name="c", subcore_axis_name="s"),
        compiler_params=pltpu.CompilerParams(use_tc_tiling_on_sc=False),
        out_type=(
            jax.ShapeDtypeStruct((NPAD, 16), jnp.float32),
            jax.ShapeDtypeStruct((NPAD,), jnp.float32),
        ),
        scratch_types=[
            pltpu.VMEM((_CHUNK,), jnp.int32),
            pltpu.VMEM((_CHUNK, 16), jnp.float32),
            pltpu.VMEM((_CHUNK,), jnp.float32),
            pltpu.SemaphoreType.DMA,
        ],
    )(rois16, order_pad)


def kernel(rois, scores):
    order = jnp.argsort(-scores)
    order_pad = jnp.concatenate(
        [order, jnp.zeros((NPAD - N,), order.dtype)])
    rois16 = jnp.pad(rois, ((0, 0), (0, 12)))
    bxs, orderf = _sc_gather(rois16, order_pad)
    out = _nms_kept(bxs, orderf.reshape(1, NPAD))
    return out[0, :MAX_SIZE].astype(order.dtype)

# --- scband reference (transcript-rebuilt; emitter-appended) ---
"""Pipeline reference for scband-nms-83958020702341 (READ-ONLY COPY).

The authoritative reference and input builder live on the scoring server;
editing this copy changes nothing except your own understanding.
"""

import jax, jax.numpy as jnp
import numpy as np


def setup_inputs(seed: int = 0) -> dict:
    key = jax.random.key(seed)
    k1, k2, k3 = jax.random.split(key, 3)
    N = 5000
    # Valid boxes: x1 < x2, y1 < y2 (rand-based construction)
    xy1 = jax.random.uniform(k1, (N, 2), dtype=jnp.float32) * 1000.0
    wh = jax.random.uniform(k2, (N, 2), dtype=jnp.float32) * 100.0 + 1.0
    rois = jnp.concatenate([xy1, xy1 + wh], axis=1)
    scores = jax.random.uniform(k3, (N,), dtype=jnp.float32)
    return {"rois": rois, "scores": scores}


def reference(rois, scores):
    threshold = 0.5
    max_size = 300
    N = scores.shape[0]
    # Sort boxes by descending score (greedy NMS order)
    order = jnp.argsort(-scores)
    b = rois[order]
    x1, y1, x2, y2 = b[:, 0], b[:, 1], b[:, 2], b[:, 3]
    areas = (x2 - x1) * (y2 - y1)
    # Pairwise IoU matrix [N, N]
    xx1 = jnp.maximum(x1[:, None], x1[None, :])
    yy1 = jnp.maximum(y1[:, None], y1[None, :])
    xx2 = jnp.minimum(x2[:, None], x2[None, :])
    yy2 = jnp.minimum(y2[:, None], y2[None, :])
    w = jnp.clip(xx2 - xx1, 0.0)
    h = jnp.clip(yy2 - yy1, 0.0)
    inter = w * h
    iou = inter / (areas[:, None] + areas[None, :] - inter + 1e-9)
    idx = jnp.arange(N)
    def body(i, keep):
        # box i is suppressed if any higher-scored kept box overlaps > threshold
        suppressed = jnp.any((iou[:, i] > threshold) & keep & (idx < i))
        return keep.at[i].set(keep[i] & jnp.logical_not(suppressed))
    keep = jax.lax.fori_loop(0, N, body, jnp.ones((N,), dtype=bool))
    kept_sorted_pos = jnp.nonzero(keep, size=max_size)[0]
    nms_keep = order[kept_sorted_pos]
    return nms_keep

if __name__ == "__main__":
    import jax
    _d = setup_inputs()
    print(jax.jit(kernel)(*tuple(_d.values())))

</pallas_src>

<mosaic_0001>
#map = affine_map<(d0, d1) -> (0, 0)>
#map1 = affine_map<(d0, d1) -> (0)>
module attributes {stable_mosaic.version = 14 : i64} {
  func.func @_sc_gather_body(%arg0: i32, %arg1: i32, %arg2: memref<5000x16xf32, #tpu.memory_space<hbm>>, %arg3: memref<5120xi32, #tpu.memory_space<hbm>>, %arg4: memref<5120x16xf32, #tpu.memory_space<hbm>>, %arg5: memref<5120xf32, #tpu.memory_space<hbm>>, %arg6: memref<160xi32, #tpu.memory_space<vmem>>, %arg7: memref<160x16xf32, #tpu.memory_space<vmem>>, %arg8: memref<160xf32, #tpu.memory_space<vmem>>, %arg9: memref<!tpu.dma_semaphore, #tpu.memory_space<semaphore_mem>>) attributes {dimension_semantics = [#tpu.dimension_semantics<core_parallel>, #tpu.dimension_semantics<subcore_parallel>], iteration_bounds = array<i64: 2, 16>, scalar_prefetch = 0 : i64, scratch_operands = 4 : i64, tpu.core_type = #tpu.core_type<sc_vector_subcore>, window_params = [{transform_indices = #map}, {transform_indices = #map1}, {transform_indices = #map}, {transform_indices = #map1}]} {
    %mul3A = arith.constant 2 : i32
    %mul3A_0 = arith.muli %arg1, %mul3A : i32
    %add3A = arith.addi %mul3A_0, %arg0 : i32
    %mul3A_1 = arith.constant 160 : i32
    %mul3A_2 = arith.muli %add3A, %mul3A_1 : i32
    "tpu.region"() ({
      %run_scoped3A = tpu.sem_alloc : memref<!tpu.dma_semaphore, #tpu.memory_space<semaphore_mem>>
      %dma_start3A_84 = tpu.memref_slice %arg3[%mul3A_2] : memref<5120xi32, #tpu.memory_space<hbm>> -> memref<160xi32, #tpu.memory_space<hbm>>
      %dma_start3A_85 = tpu.memref_slice %arg3[%mul3A_2] : memref<5120xi32, #tpu.memory_space<hbm>> -> memref<160xi32, #tpu.memory_space<hbm>>
      tpu.enqueue_dma source(%dma_start3A_85 : memref<160xi32, #tpu.memory_space<hbm>>) target(%arg6 : memref<160xi32, #tpu.memory_space<vmem>>) target_semaphore(%run_scoped3A : memref<!tpu.dma_semaphore, #tpu.memory_space<semaphore_mem>>)
      %dma_wait3A_86 = tpu.memref_slice %arg3[%mul3A_2] : memref<5120xi32, #tpu.memory_space<hbm>> -> memref<160xi32, #tpu.memory_space<hbm>>
      %dma_wait3A_87 = tpu.memref_slice %arg3[%mul3A_2] : memref<5120xi32, #tpu.memory_space<hbm>> -> memref<160xi32, #tpu.memory_space<hbm>>
      tpu.wait_dma2 semaphore(%run_scoped3A : memref<!tpu.dma_semaphore, #tpu.memory_space<semaphore_mem>>) src(%dma_wait3A_87 : memref<160xi32, #tpu.memory_space<hbm>>) dst(%arg6 : memref<160xi32, #tpu.memory_space<vmem>>)
      tpu.yield
    }) : () -> ()
    %dma_start3A = arith.constant 0 : i32
    %dma_start3A_3 = arith.constant 0 : i32
    %dma_start3A_4 = tpu.memref_slice %arg2[%dma_start3A, %dma_start3A_3] : memref<5000x16xf32, #tpu.memory_space<hbm>> -> memref<5000x16xf32, #tpu.memory_space<hbm>>
    tpu.enqueue_indirect_dma source(%dma_start3A_4 : memref<5000x16xf32, #tpu.memory_space<hbm>>) target(%arg7 : memref<160x16xf32, #tpu.memory_space<vmem>>) offsets(%arg6 : memref<160xi32, #tpu.memory_space<vmem>>) semaphore(%arg9 : memref<!tpu.dma_semaphore, #tpu.memory_space<semaphore_mem>>)
    %dma_wait3A = arith.constant 0 : i32
    %dma_wait3A_5 = arith.constant 0 : i32
    %dma_wait3A_6 = tpu.memref_slice %arg2[%dma_wait3A, %dma_wait3A_5] : memref<5000x16xf32, #tpu.memory_space<hbm>> -> memref<5000x16xf32, #tpu.memory_space<hbm>>
    tpu.wait_indirect_dma semaphore(%arg9 : memref<!tpu.dma_semaphore, #tpu.memory_space<semaphore_mem>>) src(%dma_wait3A_6 : memref<5000x16xf32, #tpu.memory_space<hbm>>) dst(%arg7 : memref<160x16xf32, #tpu.memory_space<vmem>>)
    %get3A = arith.constant 0 : index
    %get3A_7 = tpu.vector_load %arg6[%get3A] {strides = array<i32>} : memref<160xi32, #tpu.memory_space<vmem>>, vector<16xi32>,
    %get3A_8 = vector.shape_cast %get3A_7 : vector<16xi32> to vector<16xi32>
    %convert_element_type3A = arith.sitofp %get3A_8 : vector<16xi32> to vector<16xf32>
    %swap3A = arith.constant 0 : index
    %swap3A_9 = tpu.vector_load %arg8[%swap3A] {strides = array<i32>} : memref<160xf32, #tpu.memory_space<vmem>>, vector<16xf32>,
    %swap3A_10 = vector.shape_cast %swap3A_9 : vector<16xf32> to vector<16xf32>
    %swap3A_11 = vector.shape_cast %convert_element_type3A : vector<16xf32> to vector<16xf32>
    tpu.vector_store %arg8[%swap3A], %swap3A_11 {strides = array<i32>} : memref<160xf32, #tpu.memory_space<vmem>>, vector<16xf32>,
    %get3A_12 = arith.constant 16 : index
    %get3A_13 = tpu.vector_load %arg6[%get3A_12] {strides = array<i32>} : memref<160xi32, #tpu.memory_space<vmem>>, vector<16xi32>,
    %get3A_14 = vector.shape_cast %get3A_13 : vector<16xi32> to vector<16xi32>
    %convert_element_type3A_15 = arith.sitofp %get3A_14 : vector<16xi32> to vector<16xf32>
    %swap3A_16 = arith.constant 16 : index
    %swap3A_17 = tpu.vector_load %arg8[%swap3A_16] {strides = array<i32>} : memref<160xf32, #tpu.memory_space<vmem>>, vector<16xf32>,
    %swap3A_18 = vector.shape_cast %swap3A_17 : vector<16xf32> to vector<16xf32>
    %swap3A_19 = vector.shape_cast %convert_element_type3A_15 : vector<16xf32> to vector<16xf32>
    tpu.vector_store %arg8[%swap3A_16], %swap3A_19 {strides = array<i32>} : memref<160xf32, #tpu.memory_space<vmem>>, vector<16xf32>,
    %get3A_20 = arith.constant 32 : index
    %get3A_21 = tpu.vector_load %arg6[%get3A_20] {strides = array<i32>} : memref<160xi32, #tpu.memory_space<vmem>>, vector<16xi32>,
    %get3A_22 = vector.shape_cast %get3A_21 : vector<16xi32> to vector<16xi32>
    %convert_element_type3A_23 = arith.sitofp %get3A_22 : vector<16xi32> to vector<16xf32>
    %swap3A_24 = arith.constant 32 : index
    %swap3A_25 = tpu.vector_load %arg8[%swap3A_24] {strides = array<i32>} : memref<160xf32, #tpu.memory_space<vmem>>, vector<16xf32>,
    %swap3A_26 = vector.shape_cast %swap3A_25 : vector<16xf32> to vector<16xf32>
    %swap3A_27 = vector.shape_cast %convert_element_type3A_23 : vector<16xf32> to vector<16xf32>
    tpu.vector_store %arg8[%swap3A_24], %swap3A_27 {strides = array<i32>} : memref<160xf32, #tpu.memory_space<vmem>>, vector<16xf32>,
    %get3A_28 = arith.constant 48 : index
    %get3A_29 = tpu.vector_load %arg6[%get3A_28] {strides = array<i32>} : memref<160xi32, #tpu.memory_space<vmem>>, vector<16xi32>,
    %get3A_30 = vector.shape_cast %get3A_29 : vector<16xi32> to vector<16xi32>
    %convert_element_type3A_31 = arith.sitofp %get3A_30 : vector<16xi32> to vector<16xf32>
    %swap3A_32 = arith.constant 48 : index
    %swap3A_33 = tpu.vector_load %arg8[%swap3A_32] {strides = array<i32>} : memref<160xf32, #tpu.memory_space<vmem>>, vector<16xf32>,
    %swap3A_34 = vector.shape_cast %swap3A_33 : vector<16xf32> to vector<16xf32>
    %swap3A_35 = vector.shape_cast %convert_element_type3A_31 : vector<16xf32> to vector<16xf32>
    tpu.vector_store %arg8[%swap3A_32], %swap3A_35 {strides = array<i32>} : memref<160xf32, #tpu.memory_space<vmem>>, vector<16xf32>,
    %get3A_36 = arith.constant 64 : index
    %get3A_37 = tpu.vector_load %arg6[%get3A_36] {strides = array<i32>} : memref<160xi32, #tpu.memory_space<vmem>>, vector<16xi32>,
    %get3A_38 = vector.shape_cast %get3A_37 : vector<16xi32> to vector<16xi32>
    %convert_element_type3A_39 = arith.sitofp %get3A_38 : vector<16xi32> to vector<16xf32>
    %swap3A_40 = arith.constant 64 : index
    %swap3A_41 = tpu.vector_load %arg8[%swap3A_40] {strides = array<i32>} : memref<160xf32, #tpu.memory_space<vmem>>, vector<16xf32>,
    %swap3A_42 = vector.shape_cast %swap3A_41 : vector<16xf32> to vector<16xf32>
    %swap3A_43 = vector.shape_cast %convert_element_type3A_39 : vector<16xf32> to vector<16xf32>
    tpu.vector_store %arg8[%swap3A_40], %swap3A_43 {strides = array<i32>} : memref<160xf32, #tpu.memory_space<vmem>>, vector<16xf32>,
    %get3A_44 = arith.constant 80 : index
    %get3A_45 = tpu.vector_load %arg6[%get3A_44] {strides = array<i32>} : memref<160xi32, #tpu.memory_space<vmem>>, vector<16xi32>,
    %get3A_46 = vector.shape_cast %get3A_45 : vector<16xi32> to vector<16xi32>
    %convert_element_type3A_47 = arith.sitofp %get3A_46 : vector<16xi32> to vector<16xf32>
    %swap3A_48 = arith.constant 80 : index
    %swap3A_49 = tpu.vector_load %arg8[%swap3A_48] {strides = array<i32>} : memref<160xf32, #tpu.memory_space<vmem>>, vector<16xf32>,
    %swap3A_50 = vector.shape_cast %swap3A_49 : vector<16xf32> to vector<16xf32>
    %swap3A_51 = vector.shape_cast %convert_element_type3A_47 : vector<16xf32> to vector<16xf32>
    tpu.vector_store %arg8[%swap3A_48], %swap3A_51 {strides = array<i32>} : memref<160xf32, #tpu.memory_space<vmem>>, vector<16xf32>,
    %get3A_52 = arith.constant 96 : index
    %get3A_53 = tpu.vector_load %arg6[%get3A_52] {strides = array<i32>} : memref<160xi32, #tpu.memory_space<vmem>>, vector<16xi32>,
    %get3A_54 = vector.shape_cast %get3A_53 : vector<16xi32> to vector<16xi32>
    %convert_element_type3A_55 = arith.sitofp %get3A_54 : vector<16xi32> to vector<16xf32>
    %swap3A_56 = arith.constant 96 : index
    %swap3A_57 = tpu.vector_load %arg8[%swap3A_56] {strides = array<i32>} : memref<160xf32, #tpu.memory_space<vmem>>, vector<16xf32>,
    %swap3A_58 = vector.shape_cast %swap3A_57 : vector<16xf32> to vector<16xf32>
    %swap3A_59 = vector.shape_cast %convert_element_type3A_55 : vector<16xf32> to vector<16xf32>
    tpu.vector_store %arg8[%swap3A_56], %swap3A_59 {strides = array<i32>} : memref<160xf32, #tpu.memory_space<vmem>>, vector<16xf32>,
    %get3A_60 = arith.constant 112 : index
    %get3A_61 = tpu.vector_load %arg6[%get3A_60] {strides = array<i32>} : memref<160xi32, #tpu.memory_space<vmem>>, vector<16xi32>,
    %get3A_62 = vector.shape_cast %get3A_61 : vector<16xi32> to vector<16xi32>
    %convert_element_type3A_63 = arith.sitofp %get3A_62 : vector<16xi32> to vector<16xf32>
    %swap3A_64 = arith.constant 112 : index
    %swap3A_65 = tpu.vector_load %arg8[%swap3A_64] {strides = array<i32>} : memref<160xf32, #tpu.memory_space<vmem>>, vector<16xf32>,
    %swap3A_66 = vector.shape_cast %swap3A_65 : vector<16xf32> to vector<16xf32>
    %swap3A_67 = vector.shape_cast %convert_element_type3A_63 : vector<16xf32> to vector<16xf32>
    tpu.vector_store %arg8[%swap3A_64], %swap3A_67 {strides = array<i32>} : memref<160xf32, #tpu.memory_space<vmem>>, vector<16xf32>,
    %get3A_68 = arith.constant 128 : index
    %get3A_69 = tpu.vector_load %arg6[%get3A_68] {strides = array<i32>} : memref<160xi32, #tpu.memory_space<vmem>>, vector<16xi32>,
    %get3A_70 = vector.shape_cast %get3A_69 : vector<16xi32> to vector<16xi32>
    %convert_element_type3A_71 = arith.sitofp %get3A_70 : vector<16xi32> to vector<16xf32>
    %swap3A_72 = arith.constant 128 : index
    %swap3A_73 = tpu.vector_load %arg8[%swap3A_72] {strides = array<i32>} : memref<160xf32, #tpu.memory_space<vmem>>, vector<16xf32>,
    %swap3A_74 = vector.shape_cast %swap3A_73 : vector<16xf32> to vector<16xf32>
    %swap3A_75 = vector.shape_cast %convert_element_type3A_71 : vector<16xf32> to vector<16xf32>
    tpu.vector_store %arg8[%swap3A_72], %swap3A_75 {strides = array<i32>} : memref<160xf32, #tpu.memory_space<vmem>>, vector<16xf32>,
    %get3A_76 = arith.constant 144 : index
    %get3A_77 = tpu.vector_load %arg6[%get3A_76] {strides = array<i32>} : memref<160xi32, #tpu.memory_space<vmem>>, vector<16xi32>,
    %get3A_78 = vector.shape_cast %get3A_77 : vector<16xi32> to vector<16xi32>
    %convert_element_type3A_79 = arith.sitofp %get3A_78 : vector<16xi32> to vector<16xf32>
    %swap3A_80 = arith.constant 144 : index
    %swap3A_81 = tpu.vector_load %arg8[%swap3A_80] {strides = array<i32>} : memref<160xf32, #tpu.memory_space<vmem>>, vector<16xf32>,
    %swap3A_82 = vector.shape_cast %swap3A_81 : vector<16xf32> to vector<16xf32>
    %swap3A_83 = vector.shape_cast %convert_element_type3A_79 : vector<16xf32> to vector<16xf32>
    tpu.vector_store %arg8[%swap3A_80], %swap3A_83 {strides = array<i32>} : memref<160xf32, #tpu.memory_space<vmem>>, vector<16xf32>,
    "tpu.region"() ({
      %run_scoped3A = tpu.sem_alloc : memref<!tpu.dma_semaphore, #tpu.memory_space<semaphore_mem>>
      %dma_start3A_84 = arith.constant 0 : i32
      %dma_start3A_85 = tpu.memref_slice %arg4[%mul3A_2, %dma_start3A_84] : memref<5120x16xf32, #tpu.memory_space<hbm>> -> memref<160x16xf32, #tpu.memory_space<hbm>>
      %dma_start3A_86 = arith.constant 0 : i32
      %dma_start3A_87 = tpu.memref_slice %arg4[%mul3A_2, %dma_start3A_86] : memref<5120x16xf32, #tpu.memory_space<hbm>> -> memref<160x16xf32, #tpu.memory_space<hbm>>
      tpu.enqueue_dma source(%arg7 : memref<160x16xf32, #tpu.memory_space<vmem>>) target(%dma_start3A_87 : memref<160x16xf32, #tpu.memory_space<hbm>>) target_semaphore(%run_scoped3A : memref<!tpu.dma_semaphore, #tpu.memory_space<semaphore_mem>>)
      %dma_wait3A_88 = arith.constant 0 : i32
      %dma_wait3A_89 = tpu.memref_slice %arg4[%mul3A_2, %dma_wait3A_88] : memref<5120x16xf32, #tpu.memory_space<hbm>> -> memref<160x16xf32, #tpu.memory_space<hbm>>
      %dma_wait3A_90 = arith.constant 0 : i32
      %dma_wait3A_91 = tpu.memref_slice %arg4[%mul3A_2, %dma_wait3A_90] : memref<5120x16xf32, #tpu.memory_space<hbm>> -> memref<160x16xf32, #tpu.memory_space<hbm>>
      tpu.wait_dma2 semaphore(%run_scoped3A : memref<!tpu.dma_semaphore, #tpu.memory_space<semaphore_mem>>) src(%arg7 : memref<160x16xf32, #tpu.memory_space<vmem>>) dst(%dma_wait3A_91 : memref<160x16xf32, #tpu.memory_space<hbm>>)
      tpu.yield
    }) : () -> ()
    "tpu.region"() ({
      %run_scoped3A = tpu.sem_alloc : memref<!tpu.dma_semaphore, #tpu.memory_space<semaphore_mem>>
      %dma_start3A_84 = tpu.memref_slice %arg5[%mul3A_2] : memref<5120xf32, #tpu.memory_space<hbm>> -> memref<160xf32, #tpu.memory_space<hbm>>
      %dma_start3A_85 = tpu.memref_slice %arg5[%mul3A_2] : memref<5120xf32, #tpu.memory_space<hbm>> -> memref<160xf32, #tpu.memory_space<hbm>>
      tpu.enqueue_dma source(%arg8 : memref<160xf32, #tpu.memory_space<vmem>>) target(%dma_start3A_85 : memref<160xf32, #tpu.memory_space<hbm>>) target_semaphore(%run_scoped3A : memref<!tpu.dma_semaphore, #tpu.memory_space<semaphore_mem>>)
      %dma_wait3A_86 = tpu.memref_slice %arg5[%mul3A_2] : memref<5120xf32, #tpu.memory_space<hbm>> -> memref<160xf32, #tpu.memory_space<hbm>>
      %dma_wait3A_87 = tpu.memref_slice %arg5[%mul3A_2] : memref<5120xf32, #tpu.memory_space<hbm>> -> memref<160xf32, #tpu.memory_space<hbm>>
      tpu.wait_dma2 semaphore(%run_scoped3A : memref<!tpu.dma_semaphore, #tpu.memory_space<semaphore_mem>>) src(%arg8 : memref<160xf32, #tpu.memory_space<vmem>>) dst(%dma_wait3A_87 : memref<160xf32, #tpu.memory_space<hbm>>)
      tpu.yield
    }) : () -> ()
    return
  }
}

</mosaic_0001>

<sc_bundles>
// kernel: _sc_gather.3.cloned.1.call-start
scs
__scs_entry_jumppad:
0x0: {  	(pc) =	sbr.rel $0x88, $3  }
0x1: {  	(tag) =	ssettag $0x0;
	lr =	simm.s32 $0x1  }
0x2: {  	[smem:$0x3F9F] =	sst lr;
	_ =	strace $0xD0000000  }
0x3: {  	_ = 	snop  }
0x4: {  	_ = 	snop  }
0x5: {  	_ = 	snop  }
0x6: {  	_ = 	snop  }
0x7: {  	_ = 	snop  }
__scs_overlays_trampoline_lowered:
0x8: {  	[smem:$0x3FAE] =	sst s0  }
0x9: {  	[smem:$0x3FAF] =	sst s1  }
0xa: {  	[smem:$0x3FB0] =	sst s2  }
0xb: {  	[smem:$0x3FB1] =	sst s3  }
0xc: {  	[smem:$0x3FB2] =	sst s4  }
0xd: {  	[smem:$0x3FB3] =	sst s5  }
0xe: {  	[smem:$0x3FB4] =	sst s6  }
0xf: {  	[smem:$0x3FB5] =	sst s7  }
0x10: {  	[smem:$0x3FB6] =	sst s8  }
0x11: {  	[smem:$0x3FB7] =	sst s9;
	s0 =	simm.s32 @!p0 $0x0  }
0x12: {  	s1 =	sld [smem:$0x3F9D];
	s0 =	simm.s32 @p0 $0x1  }
0x13: {  	[smem:$0x3FB8] =	sst s0;
	s0 =	simm.s32 @!p1 $0x0  }
0x14: {  	s2 =	sld [smem:$0x3F9C];
	s0 =	simm.s32 @p1 $0x1  }
0x15: {  	[smem:$0x3FB9] =	sst s0;
	s0 =	simm.s32 @!p2 $0x0  }
0x16: {  	s3 =	sld [smem:$0x3FDB];
	s0 =	simm.s32 @p2 $0x1  }
0x17: {  	s4 =	simm.s32 $0x1BF5;
	[smem:$0x3FBB] =	sst s0  }
0x18: {  	s0 =	sld [smem:$0x3F9E];
	_ =	swait.ge [sflag:s4], $0x0  }
0x19: {  	s7 =	sld [smem:$0x3F9F]  }
0x1a: {  	s8 =	sadd.s32 $0xFFFFE003, lr  }
0x1b: {  	s9 =	sadd.s32 $0xFFFFFEF7, lr;
	s5 =	simm.s32 $0xFFFFFFFF;
	p2 =	slt.u32 s8, $0xFFFFF086  }
0x1c: {  	p1 =	slt.u32 s9, $0xF7A;
	s5 =	simm.s32 @!p2 $0x0  }
0x1d: {  	s5 =	simm.s32 @p1 $0x1;
	p0 =	seq.s32 s7, s2  }
0x1e: {  	s7 =	smul.u32 @!p0 $0xF7A, s2;
	p2 =	seq.s32 @!p0 s5, $0x0  }
0x1f: {  	s9 =	smul.u32 $0xF7A, s1;
	s8 =	simm.s32 @!p0 $0x1BF5;
	p2 =	por !p2, p0  }
0x20: {  	[sflag:s8] =	ssyncset.s32 @!p0 $0xFFFFF086;
	s6 =	sadd.s32 @!p0 s3, s7;
	s7 =	simm.s32 @!p0 $0x108  }
0x21: {  	s3 =	sadd.s32 s3, s9;
	s6 =	sadd.s32 @!p0 $0x88, s6;
	s7 =	simm.s32 @p2 $0x1082  }
0x22: {  	[simem:s7], [sflag:s8] =	dma.local @!p0 [hbm:s6], $0xF7A  }
0x23: {  	s9 =	sor.u32 $0xD0000000, s2;
	s6 =	simm.s32 $0x108;
	_ =	swait.ge @!p0 [sflag:s8], $0x0  }
0x24: {  	s3 =	sadd.s32 $0x88, s3;
	s6 =	simm.s32 @!p1 $0x1082;
	[sflag:s4] =	ssyncset.s32 $0xFFFFF086  }
0x25: {  	[simem:s6], [sflag:s4] =	dma.local [hbm:s3], $0xF7A  }
0x26: {  	[smem:$0x3F9F] =	sst s1;
	(tag) =	ssettag s2;
	_ =	strace s9  }
0x27: {  	s1 =	sld [smem:$0x3FAF]  }
0x28: {  	s2 =	sld [smem:$0x3FB0]  }
0x29: {  	s4 =	sld [smem:$0x3FB2]  }
0x2a: {  	p0 =	seq.s32 s5, $0x0;
	s5 =	sld [smem:$0x3FB3]  }
0x2b: {  	s6 =	sld [smem:$0x3FB4]  }
0x2c: {  	s7 =	sld [smem:$0x3FB5]  }
0x2d: {  	s3 =	simm.s32 $0x108;
	s8 =	sld [smem:$0x3FB6]  }
0x2e: {  	s3 =	simm.s32 @!p0 $0x1082;
	s9 =	sld [smem:$0x3FB7]  }
0x2f: {  	lr =	sadd.s32 s0, s3;
	s0 =	sld [smem:$0x3FAE]  }
0x30: {  	s3 =	sld [smem:$0x3FB1]  }
0x31: {  	[smem:$0x3FBA] =	sst s10  }
0x32: {  	s10 =	sld [smem:$0x3FB8];
	_ =	sdelay $0x3  }
0x33: {  	p0 =	seq.s32 s10, $0x1;
	s10 =	sld [smem:$0x3FBA];
	_ =	sdelay $0x3  }
0x34: {  	[smem:$0x3FBA] =	sst s10  }
0x35: {  	s10 =	sld [smem:$0x3FB9];
	_ =	sdelay $0x3  }
0x36: {  	p1 =	seq.s32 s10, $0x1;
	s10 =	sld [smem:$0x3FBA];
	_ =	sdelay $0x3  }
0x37: {  	[smem:$0x3FBA] =	sst s10  }
0x38: {  	s10 =	sld [smem:$0x3FBB]  }
0x39: {  	_ = 	snop;
	(pc) =	sbr.ind lr, $3  }
0x3a: {  	_ = 	snop  }
0x3b: {  	_ = 	snop  }
0x3c: {  	p2 =	seq.s32 s10, $0x1;
	s10 =	sld [smem:$0x3FBA]  }
0x3d: {  	_ =	shalt  }
0x3e: {  	_ =	shalt  }
0x3f: {  	_ =	shalt  }
0x40: {  	_ =	shalt  }
0x41: {  	_ =	shalt  }
0x42: {  	_ =	shalt  }
0x43: {  	_ =	shalt  }
0x44: {  	_ =	shalt  }
0x45: {  	_ =	shalt  }
0x46: {  	_ =	shalt  }
0x47: {  	_ =	shalt  }
0x48: {  	_ =	shalt  }
0x49: {  	_ =	shalt  }
0x4a: {  	_ =	shalt  }
0x4b: {  	_ =	shalt  }
0x4c: {  	_ =	shalt  }
0x4d: {  	_ =	shalt  }
0x4e: {  	_ =	shalt  }
0x4f: {  	_ =	shalt  }
0x50: {  	_ =	shalt  }
0x51: {  	_ =	shalt  }
0x52: {  	_ =	shalt  }
0x53: {  	_ =	shalt  }
0x54: {  	_ =	shalt  }
0x55: {  	_ =	shalt  }
0x56: {  	_ =	shalt  }
0x57: {  	_ =	shalt  }
0x58: {  	_ =	shalt  }
0x59: {  	_ =	shalt  }
0x5a: {  	_ =	shalt  }
0x5b: {  	_ =	shalt  }
0x5c: {  	_ =	shalt  }
0x5d: {  	_ =	shalt  }
0x5e: {  	_ =	shalt  }
0x5f: {  	_ =	shalt  }
0x60: {  	_ =	shalt  }
0x61: {  	_ =	shalt  }
0x62: {  	_ =	shalt  }
0x63: {  	_ =	shalt  }
0x64: {  	_ =	shalt  }
0x65: {  	_ =	shalt  }
0x66: {  	_ =	shalt  }
0x67: {  	_ =	shalt  }
0x68: {  	_ =	shalt  }
0x69: {  	_ =	shalt  }
0x6a: {  	_ =	shalt  }
0x6b: {  	_ =	shalt  }
0x6c: {  	_ =	shalt  }
0x6d: {  	_ =	shalt  }
0x6e: {  	_ =	shalt  }
0x6f: {  	_ =	shalt  }
0x70: {  	_ =	shalt  }
0x71: {  	_ =	shalt  }
0x72: {  	_ =	shalt  }
0x73: {  	_ =	shalt  }
0x74: {  	_ =	shalt  }
0x75: {  	_ =	shalt  }
0x76: {  	_ =	shalt  }
0x77: {  	_ =	shalt  }
0x78: {  	_ =	shalt  }
0x79: {  	_ =	shalt  }
0x7a: {  	_ =	shalt  }
0x7b: {  	_ =	shalt  }
0x7c: {  	_ =	shalt  }
0x7d: {  	_ =	shalt  }
0x7e: {  	_ =	shalt  }
0x7f: {  	_ =	shalt  }
0x80: {  	_ =	shalt  }
0x81: {  	_ =	shalt  }
0x82: {  	_ =	shalt  }
0x83: {  	_ =	shalt  }
0x84: {  	_ =	shalt  }
0x85: {  	_ =	shalt  }
0x86: {  	_ =	shalt  }
0x87: {  	_ =	shalt  }
.Lfunc_end0:
.L_simem_size_0:
called_computation_lowered:
.L_overlay_start_0:
0x88: {  	s2 =	sld [smem:$0x3FD9]  }
0x89: {  	s3 =	sld [smem:$0x3FFE];
	_ =	sdelay $0x1  }
0x8a: {  	s1 =	srdreg.scid  }
0x8b: {  	s0 =	sand.u32 $0x1, s1  }
0x8c: {  	s14 =	sshll.u32 s0, $0xA;
	s2 =	sadd.s32 s3, s2  }
0x8d: {  	s2 =	sadd.s32 s2, s14  }
0x8e: {  	[smem:$0x3FC6] =	sst s2  }
0x8f: {  	_ = 	snop  }
0x90: {  	s2 =	sld [smem:$0x3FD0];
	_ =	sdelay $0x2  }
0x91: {  	s4 =	simm.s32 $0xA;
	s5 =	simm.s32 $0x10;
	s15 =	sld [smem:$0x3FC8]  }
0x92: {  	[smem:s5], [sflag:s4] =	dma.local [hbm:s2], $0x1  }
0x93: {  	_ =	swait.eq [sflag:s4], $0x1  }
0x94: {  	[sflag:s4] =	ssyncset.done $0x0  }
0x95: {  	s16 =	sld [smem:$0x10];
	[sflag:s4] =	ssyncadd.s32 $0xFFFFFFFF  }
0x96: {  	s17 =	sld [smem:$0x11];
	(tm) =	ssettm $0x1  }
0x97: {  	s18 =	sld [smem:$0x3FFB];
	_ =	sdelay $0x3  }
0x98: {  	_ =	strace s18  }
0x99: {  	s5 =	sld [smem:$0x3FFC];
	_ =	sdelay $0x3  }
0x9a: {  	_ =	strace s5  }
0x9b: {  	s5 =	sld [smem:$0x3FFD];
	_ =	sdelay $0x3  }
0x9c: {  	_ =	strace s5  }
0x9d: {  	_ =	strace $0x8FFFFFFF  }
0x9e: {  	s19 =	sld [smem:$0x3FDB];
	_ =	sdelay $0x1  }
0x9f: {  	s6 =	simm.s32 $_scs_section_size  }
0xa0: {  	s7 =	simm.s32 $_size__tile_overlayer_lowered;
	s8 =	simm.s32 $_tile_overlayer_lowered  }
0xa1: {  	s22 =	simm.s32 $0x1BFF;
	s21 =	sshll.u32 s8, $0x1;
	s5 =	sadd.s32 s6, s19  }
0xa2: {  	s9 =	simm.s32 $0x0;
	s20 =	sshll.u32 s7, $0x1;
	s7 =	sadd.s32 s21, s5  }
0xa3: {  	[timem:s9], [sflag:s22] =	dma.local [hbm:s7], s20  }
0xa4: {  	_ =	swait.ge [sflag:s22], s20  }
0xa5: {  	s6 =	ssub.s32 $0x0, s20;
	[sflag:s22] =	ssyncset.done $0x0  }
0xa6: {  	[sflag:s22] =	ssyncadd.s32 s6;
	_ =	sdelay $0x1  }
0xa7: {  	s23 =	simm.s32 $0x1B8B  }
0xa8: {  	_ =	swait.ge [sflag:s23], $0x1  }
0xa9: {  	[sflag:s23] =	ssyncset.done $0x0  }
0xaa: {  	s25 =	simm.s32 $0x1B8E;
	s24 =	sld [smem:$0x3FFE];
	[sflag:s23] =	ssyncadd.s32 $0xFFFFFFFF  }
0xab: {  	s26 =	simm.s32 $execute0_lowered;
	[smem:$0x3FD2] =	sst s25  }
0xac: {  	s7 =	sshll.u32 s26, $0x1;
	_ =	strace $0x80000046;
	[dreg:$0x1] =	wrdreg $0xFFFFFFFF  }
0xad: {  	s28 =	simm.s32 $_size_execute0_lowered;
	s5 =	sadd.s32 s5, s7;
	[dreg:$0x0] =	wrdreg $0x0  }
0xae: {  	s7 =	sshll.u32 s28, $0x1;
	[dreg:$0x2] =	wrdreg s5  }
0xaf: {  	[dreg:$0x3] =	wrdreg s7  }
0xb0: {  	[dreg:$0x4] =	wrdreg $0xC0  }
0xb1: {  	_ =	task [dreg:s9], $0x5FFFF  }
0xb2: {  	[dreg:$0x1] =	wrdreg $0xFFFFFFFF  }
0xb3: {  	[dreg:$0x0] =	wrdreg $0x60  }
0xb4: {  	[dreg:$0x2] =	wrdreg s24  }
0xb5: {  	[dreg:$0x3] =	wrdreg s15  }
0xb6: {  	[dreg:$0x4] =	wrdreg s16  }
0xb7: {  	[dreg:$0x5] =	wrdreg s17  }
0xb8: {  	[dreg:$0x6] =	wrdreg $0x9  }
0xb9: {  	_ =	task.clear_ibuf [dreg:s9], $0x7FFFF;
	_ =	strace $0x90000046  }
0xba: {  	s29 =	simm.s32 $0x9;
	_ =	strace $0x80000048  }
0xbb: {  	_ =	swait.ge [sflag:s29], $0x1  }
0xbc: {  	[sflag:s29] =	ssyncadd.s32 $0xFFFFFFFF  }
0xbd: {  	_ =	strace $0x90000048  }
0xbe: {  	_ =	sfence  }
0xbf: {  	s30 =	sld [smem:$0x0];
	_ =	sdelay $0x2  }
0xc0: {  	s31 =	sshll.u32 s1, $0xD;
	s1 =	sshrl.u32 s1, $0x2  }
0xc1: {  	s3 =	sand.u32 $0x4000, s31;
	s1 =	sadd.s32 s1, s30  }
0xc2: {  	s0 =	sor.u32 s3, s0;
	s1 =	sshll.u32 s1, $0x11  }
0xc3: {  	s0 =	sor.u32 s1, s0  }
0xc4: {  	s0 =	sadd.s32 $0x8F2B, s0  }
0xc5: {  	[sflag:s0] =	ssyncadd.remote.s32 $0x1  }
0xc6: {  	_ =	sfence.sel $0xFFFF  }
0xc7: {  	[dreg:$0x0] =	wrdreg $0xFFFFFFFF;
	(pc) =	sbr.abs _section_cstart, $3  }
0xc8: {  	[dreg:$0x1] =	wrdreg $0xFFFFFFFF  }
0xc9: {  	_ =	task.clear_ibuf [dreg:s9], $0x2FFFF;
	_ =	strace $0x9FFFFFFF  }
0xca: {  	(tm) =	ssettm $0x7FFFFFFF  }
0xcb: {  	_ =	shalt  }
tec
execute0_lowered:
.L_overlay_start_1:
0x0: {  	(tag) =	ssettag $0x1  }
0x1: {  	s5 =	rddreg [dreg:$0x0]  }
0x2: {  	s3 =	rddreg [dreg:$0x1]  }
0x3: {  	s1 =	srdreg.scid;
	s0 =	stileid.u32  }
0x4: {  	s8 =	rddreg [dreg:$0x2];
	s9 =	sand.u32 $0x1, s1;
	s31 =	sshll.u32 s0, $0x1  }
0x5: {  	s10 =	rddreg [dreg:$0x3];
	s11 =	sor.u32 s9, s31  }
0x6: {  	s2 =	simm.s32 $0x0;
	s1 =	rddreg [dreg:$0x4];
	s12 =	smul.u32 $0x14, s11  }
0x7: {  	[smem:$0x7FF] =	sst s2  }
0x8: {  	_ =	strace $0x80000047;
	s4 =	sadd.s32 s3, s12;
	s3 =	simm.s32 $0x2  }
0x9: {  	[tilespmem:s2], [sflag:$0x2] =	stream.linear.gather [hbm4b:s4+s2], $0xA0, $0x38;
	[tilespmem:$0xB40] =	vst v63  }
0xa: {  	_ =	swait.ge [sflag:s3], $0xA0  }
0xb: {  	s7 =	simm.s32 $0x1;
	[sflag:s3] =	ssyncset.done $0x0  }
0xc: {  	s6 =	sadd.s32 $0x800, s5;
	s5 =	simm.s32 $0xA0;
	[sflag:s3] =	ssyncadd.s32 $0xFFFFFF60  }
0xd: {  	[tilespmem:s5], [sflag:$0x1] =	stream.indirect.gather [hbm4b:s6+s5], $0x10, s2, s5, $0xb8;
	[tilespmem:$0xB40] =	vst v63  }
0xe: {  	_ =	swait.ge [sflag:s7], $0xA00  }
0xf: {  	[sflag:s7] =	ssyncset.done $0x0  }
0x10: {  	[sflag:s7] =	ssyncadd.s32 $0xFFFFF600  }
0x11: {  	v0 =	vld [tilespmem:$0x90]  }
0x12: {  	v1 =	vld [tilespmem:$0x80]  }
0x13: {  	v2 =	vld [tilespmem:$0x20]  }
0x14: {  	v3 =	vld [tilespmem:$0x60]  }
0x15: {  	v5 =	vld [tilespmem:$0x30];
	_ =	sdelay $0x1  }
0x16: {  	s9 =	ssub.s32 $0x2, s9;
	v4 =	vld [tilespmem:$0x40];
	v0 =	vcvt.s32.f32 v0  }
0x17: {  	s13 =	sshrl.u32 s9, $0x1;
	v6 =	vld [tilespmem:$0x50];
	v1 =	vcvt.s32.f32 v1  }
0x18: {  	s9 =	ssub.s32 s9, s13;
	v7 =	vld [tilespmem:$0x10];
	v2 =	vcvt.s32.f32 v2;
	[tilespmem:$0xB30] =	vst v0  }
0x19: {  	s13 =	smax.u32 s9, $0x1;
	v63 =	vcvt.s32.f32 v5;
	v0 =	vcvt.s32.f32 v3;
	v3 =	vld [tilespmem:$0x70];
	[tilespmem:$0xB20] =	vst v1  }
0x1a: {  	p0 =	sne.s32 s13, $0x1;
	v1 =	vld [tilespmem:$0x0];
	[tilespmem:$0xAC0] =	vst v2  }
.Ltmp0:
0x1b: {  	v2 =	vcvt.s32.f32 v4;
	[tilespmem:$0xAD0] =	vst v63;
	(pc) =	sbr.rel @!p0 .LBB2_2-.Ltmp0, $4  }
0x1c: {  	s11 =	smul.u32 $0x140, s11;
	[tilespmem:$0xB00] =	vst v0;
	v0 =	vcvt.s32.f32 v6  }
0x1d: {  	[tilespmem:$0xAE0] =	vst v2;
	v2 =	vcvt.s32.f32 v7  }
0x1e: {  	s9 =	sadd.s32 s8, s11;
	[tilespmem:$0xAF0] =	vst v0;
	v0 =	vcvt.s32.f32 v3  }
0x1f: {  	s8 =	sadd.s32 s10, s12;
	s10 =	simm.s32 $0xAA0;
	s11 =	sadd.s32 $0xFFFFFFFF, s13;
	[tilespmem:$0xAB0] =	vst v2;
	v1 =	vcvt.s32.f32 v1  }
.LBB2_1:
0x20: {  	p0 =	sne.s32 s11, $0x1;
	s11 =	sadd.s32 $0xFFFFFFFF, s11;
	[tilespmem:$0xB10] =	vst v0  }
0x21: {  	[tilespmem:$0xAA0] =	vst v1  }
0x22: {  	[hbm4b:s9+s2] =	stream.linear.scatter [tilespmem:s5], [sflag:$0x2], $0xA00, $0x38;
	[tilespmem:$0xB40] =	vst v63  }
0x23: {  	_ =	swait.ge [sflag:s3], $0xA00  }
0x24: {  	[sflag:s3] =	ssyncset.done $0x0  }
0x25: {  	[sflag:s3] =	ssyncadd.s32 $0xFFFFF600  }
0x26: {  	[hbm4b:s8+s2] =	stream.linear.scatter [tilespmem:s10], [sflag:$0x2], $0xA0, $0x38;
	[tilespmem:$0xB40] =	vst v63  }
0x27: {  	_ =	swait.ge [sflag:s3], $0xA0  }
0x28: {  	[sflag:s3] =	ssyncset.done $0x0  }
0x29: {  	[sflag:s3] =	ssyncadd.s32 $0xFFFFFF60  }
0x2a: {  	[tilespmem:s2], [sflag:$0x2] =	stream.linear.gather [hbm4b:s4+s2], $0xA0, $0x38;
	[tilespmem:$0xB40] =	vst v63  }
0x2b: {  	_ =	swait.ge [sflag:s3], $0xA0  }
0x2c: {  	[sflag:s3] =	ssyncset.done $0x0  }
0x2d: {  	[sflag:s3] =	ssyncadd.s32 $0xFFFFFF60  }
0x2e: {  	[tilespmem:s5], [sflag:$0x1] =	stream.indirect.gather [hbm4b:s6+s5], $0x10, s2, s5, $0xb8;
	[tilespmem:$0xB40] =	vst v63  }
0x2f: {  	_ =	swait.ge [sflag:s7], $0xA00  }
0x30: {  	[sflag:s7] =	ssyncset.done $0x0  }
0x31: {  	[sflag:s7] =	ssyncadd.s32 $0xFFFFF600  }
0x32: {  	v0 =	vld [tilespmem:$0x90]  }
0x33: {  	v1 =	vld [tilespmem:$0x80]  }
0x34: {  	v2 =	vld [tilespmem:$0x20]  }
0x35: {  	v3 =	vld [tilespmem:$0x60]  }
0x36: {  	v4 =	vld [tilespmem:$0x40]  }
0x37: {  	v5 =	vld [tilespmem:$0x30];
	v0 =	vcvt.s32.f32 v0  }
0x38: {  	v6 =	vld [tilespmem:$0x50];
	v1 =	vcvt.s32.f32 v1  }
0x39: {  	v7 =	vld [tilespmem:$0x10];
	v2 =	vcvt.s32.f32 v2;
	[tilespmem:$0xB30] =	vst v0  }
0x3a: {  	v0 =	vcvt.s32.f32 v3;
	v3 =	vld [tilespmem:$0x70];
	[tilespmem:$0xB20] =	vst v1  }
0x3b: {  	v1 =	vld [tilespmem:$0x0];
	[tilespmem:$0xAC0] =	vst v2;
	v2 =	vcvt.s32.f32 v4  }
.Ltmp1:
0x3c: {  	v4 =	vcvt.s32.f32 v5;
	[tilespmem:$0xB00] =	vst v0;
	(pc) =	sbr.rel @p0 .LBB2_1-.Ltmp1, $4  }
0x3d: {  	[tilespmem:$0xAE0] =	vst v2;
	v0 =	vcvt.s32.f32 v6  }
0x3e: {  	v2 =	vcvt.s32.f32 v7;
	[tilespmem:$0xAD0] =	vst v4  }
0x3f: {  	[tilespmem:$0xAF0] =	vst v0;
	v0 =	vcvt.s32.f32 v3  }
0x40: {  	v1 =	vcvt.s32.f32 v1;
	[tilespmem:$0xAB0] =	vst v2  }
.LBB2_2:
0x41: {  	[tilespmem:$0xB10] =	vst v0  }
0x42: {  	[tilespmem:$0xAA0] =	vst v1  }
0x43: {  	[hbm4b:s9+s2] =	stream.linear.scatter [tilespmem:s5], [sflag:$0x2], $0xA00, $0x38;
	[tilespmem:$0xB40] =	vst v63  }
0x44: {  	_ =	swait.ge [sflag:s3], $0xA00  }
0x45: {  	[sflag:s3] =	ssyncset.done $0x0  }
0x46: {  	[sflag:s3] =	ssyncadd.s32 $0xFFFFF600  }
0x47: {  	[hbm4b:s8+s2] =	stream.linear.scatter [tilespmem:s10], [sflag:$0x2], $0xA0, $0x38;
	[tilespmem:$0xB40] =	vst v63  }
0x48: {  	_ =	swait.ge [sflag:s3], $0xA0  }
0x49: {  	[sflag:s3] =	ssyncset.done $0x0  }
0x4a: {  	[sflag:s3] =	ssyncadd.s32 $0xFFFFFF60  }
0x4b: {  	_ =	sfence.sel $0x180000  }
0x4c: {  	[bflag:$0x0] =	sbarrier.arrive $0xFFFF  }
0x4d: {  	p0 =	sne.s32 s0, $0x0;
	_ =	strace $0x90000047  }
0x4e: {  	s0 =	sadd.s32 @!p0 $0x100000, s1;
	[bflag:$0x2] =	sbarrier.arrive $0xFFFF  }
0x4f: {  	[sflag:s0] =	ssyncadd.tile.s32 @!p0 $0x1;
	_ =	shalt  }
.Lfunc_end2:
_tile_overlayer_lowered:
.L_overlay_start_2:
0x50: {  	(tag) =	ssettag $0x2  }
0x51: {  	s0 =	rddreg [dreg:$0x0];
	s2 =	stileid.u32  }
0x52: {  	s1 =	rddreg [dreg:$0x1];
	p0 =	sne.s32 s2, $0x0  }
0x53: {  	s3 =	rddreg [dreg:$0x2];
	[bflag:$0x3] =	sbarrier.arrive $0xFFFF;
	s2 =	simm.s32 @!p0 $0x1C02  }
0x54: {  	[timem:s3], [sflag:s2] =	dma.local @!p0 [hbm:s0], s1  }
0x55: {  	s0 =	simm.s32 @!p0 $0x2  }
0x56: {  	_ =	swait.ge @!p0 [sflag:s0], s1  }
0x57: {  	s1 =	ssub.s32 @!p0 $0x0, s1;
	[sflag:s0] =	ssyncset.done @!p0 $0x0  }
0x58: {  	[sflag:s0] =	ssyncadd.s32 @!p0 s1  }
0x59: {  	[bflag:$0x3] =	sbarrier.arrive $0xFFFF  }
0x5a: {  	_ =	shalt  }

</sc_bundles>
